<compile_context>
chip_gen: v7x
topology: tpu7x:2x2x1
jax: 0.10.2.dev20260603
libtpu: 0.0.44.dev20260713+nightly
codegen_flags: <defaults>
</compile_context>

<pallas_src>
import functools

import jax
import jax.numpy as jnp
from jax import lax
from jax.experimental import pallas as pl
from jax.experimental.pallas import tpu as pltpu
from jax.experimental.pallas import tpu_sc as plsc

_B = 16
_S = 512
_C = 2
_T = 4096
_L = 16
_NB = _T // _L
_BIAS = 64

_mesh = plsc.VectorSubcoreMesh(core_axis_name="c", subcore_axis_name="s")


@functools.partial(
    pl.kernel,
    out_type=jax.ShapeDtypeStruct((_C * _B, _T), jnp.float32),
    mesh=_mesh,
    compiler_params=pltpu.CompilerParams(needs_layout_passes=False),
    scratch_types=[
        pltpu.VMEM((_S + 128,), jnp.int32),
        pltpu.VMEM((_S * _C + 128,), jnp.float32),
        pltpu.VMEM((_T,), jnp.int32),
        pltpu.VMEM((_T,), jnp.float32),
        pltpu.SemaphoreType.DMA,
        pltpu.SemaphoreType.DMA,
    ],
)
def _decode(vals_hbm, starts_hbm, out_hbm, starts_v, vals_v, m_v, out_v,
            sem_s, sem_v):
    comp = lax.axis_index("c")
    b = lax.axis_index("s")

    vals_v[pl.ds(0, _L)] = jnp.zeros((_L,), jnp.float32)
    cp_starts = pltpu.async_copy(starts_hbm.at[b], starts_v.at[pl.ds(0, _S)],
                                 sem_s)
    cp_vals = pltpu.async_copy(vals_hbm.at[b],
                               vals_v.at[pl.ds(_BIAS * _C, _S * _C)], sem_v)

    iota = lax.iota(jnp.int32, _L)
    zero = jnp.zeros((_L,), jnp.int32)

    @plsc.parallel_loop(0, _NB, unroll=4)
    def init_body(i):
        m_v[pl.ds(i * _L, _L)] = zero

    cp_starts.wait()
    for p in range(128 // _L):
        starts_v[pl.ds(_S + p * _L, _L)] = jnp.full((_L,), _T, jnp.int32)

    @plsc.parallel_loop(0, _S // _L, unroll=4)
    def scat_body(g):
        base = g * _L
        st = starts_v[pl.ds(base, _L)]
        nxt = plsc.load_gather(starts_v, [iota + (base + 1)])
        vis = nxt > st
        plsc.store_scatter(m_v, [st], iota + (base + _BIAS), mask=vis)

    cp_vals.wait()

    @plsc.parallel_loop(0, _NB, unroll=4, carry=jnp.int32(0))
    def scan_body(i, carry):
        mv = m_v[pl.ds(i * _L, _L)]
        sc = jnp.maximum(plsc.cummax(mv), carry)
        idx = sc * _C + comp
        out_v[pl.ds(i * _L, _L)] = plsc.load_gather(vals_v, [idx])
        return jnp.maximum(carry, jnp.max(mv))

    pltpu.sync_copy(out_v, out_hbm.at[comp * _B + b])


def kernel(segment_values, segment_starts):
    vals_flat = segment_values.reshape(_B, _S * _C)
    out = _decode(vals_flat, segment_starts)
    return out.reshape(_C, _B, _T)

# --- scband reference (transcript-rebuilt; emitter-appended) ---
"""Pipeline reference for scband-decoder-72146860638312 (READ-ONLY COPY).

The authoritative reference and input builder live on the scoring server;
editing this copy changes nothing except your own understanding.
"""

import jax, jax.numpy as jnp
import numpy as np

BATCH_SIZE = 16
SAMPLE_SIZE = 4096
NUM_SEGMENTS = 512
NUM_COMPONENTS = 2  # tools.HARMONY_COMPONENTS['CHORD'] -> ['root', 'quality']


def setup_inputs(seed: int = 0) -> dict:
    key = jax.random.key(seed)
    k1, k2 = jax.random.split(key)
    # pre-parsed harmony component values (the original stores them into float32
    # frame tensors, via tools.Harmony.parse_harmony_index)
    segment_values = jax.random.uniform(k1, (BATCH_SIZE, NUM_SEGMENTS, NUM_COMPONENTS), dtype=jnp.float32)
    # ragged segment start frames, sorted per sample; segment i covers
    # [start_i, start_{i+1} - 1], last segment runs to SAMPLE_SIZE - 1
    segment_starts = jnp.sort(
        jax.random.randint(k2, (BATCH_SIZE, NUM_SEGMENTS), 0, SAMPLE_SIZE, dtype=jnp.int32), axis=-1
    )
    return {"segment_values": segment_values, "segment_starts": segment_starts}


def reference(segment_values, segment_starts):
    # segment2frame: write each segment's per-component harmony value into every
    # frame it covers (start..end inclusive). Frames before the first segment
    # keep the torch.zeros default. Duplicate starts follow last-write-wins,
    # matching the sequential overwrite loop in the torch code.
    B, S, C = segment_values.shape
    frames = jnp.arange(SAMPLE_SIZE)

    def per_sample(starts, vals):
        seg = jnp.searchsorted(starts, frames, side='right') - 1  # [T]
        valid = seg >= 0
        seg_c = jnp.clip(seg, 0, S - 1)
        out = jnp.take(vals, seg_c, axis=0)  # [T, C] gather
        out = jnp.where(valid[:, None], out, 0.0)
        return out

    frame_decode = jax.vmap(per_sample)(segment_starts, segment_values)  # [B, T, C]
    # component-major layout: dict {component: [B, T]} -> stacked [C, B, T]
    return jnp.transpose(frame_decode, (2, 0, 1))

if __name__ == "__main__":
    import jax
    _d = setup_inputs()
    print(jax.jit(kernel)(*tuple(_d.values())))

</pallas_src>

<mosaic_0001>
#map = affine_map<(d0, d1) -> (0, 0)>
module attributes {stable_mosaic.version = 14 : i64} {
  func.func @_decode(%arg0: i32, %arg1: i32, %arg2: memref<16x1024xf32, #tpu.memory_space<hbm>>, %arg3: memref<16x512xi32, #tpu.memory_space<hbm>>, %arg4: memref<32x4096xf32, #tpu.memory_space<hbm>>, %arg5: memref<640xi32, #tpu.memory_space<vmem>>, %arg6: memref<1152xf32, #tpu.memory_space<vmem>>, %arg7: memref<4096xi32, #tpu.memory_space<vmem>>, %arg8: memref<4096xf32, #tpu.memory_space<vmem>>, %arg9: memref<!tpu.dma_semaphore, #tpu.memory_space<semaphore_mem>>, %arg10: memref<!tpu.dma_semaphore, #tpu.memory_space<semaphore_mem>>) attributes {dimension_semantics = [#tpu.dimension_semantics<core_parallel>, #tpu.dimension_semantics<subcore_parallel>], iteration_bounds = array<i64: 2, 16>, scalar_prefetch = 0 : i64, scratch_operands = 6 : i64, tpu.core_type = #tpu.core_type<sc_vector_subcore>, window_params = [{transform_indices = #map}, {transform_indices = #map}, {transform_indices = #map}]} {
    %broadcast_in_dim3A = arith.constant 0.000000e+00 : f32
    %broadcast_in_dim3A_0 = vector.broadcast %broadcast_in_dim3A : f32 to vector<16xf32>
    %swap3A = arith.constant 0 : index
    %swap3A_1 = tpu.vector_load %arg6[%swap3A] {strides = array<i32>} : memref<1152xf32, #tpu.memory_space<vmem>>, vector<16xf32>,
    tpu.vector_store %arg6[%swap3A], %broadcast_in_dim3A_0 {strides = array<i32>} : memref<1152xf32, #tpu.memory_space<vmem>>, vector<16xf32>,
    %dma_start3A = arith.constant 0 : i32
    %dma_start3A_2 = tpu.memref_slice %arg5[%dma_start3A] : memref<640xi32, #tpu.memory_space<vmem>> -> memref<512xi32, #tpu.memory_space<vmem>>
    %dma_start3A_3 = arith.constant 0 : i32
    %dma_start3A_4 = tpu.memref_slice %arg3[%arg1, %dma_start3A_3] : memref<16x512xi32, #tpu.memory_space<hbm>> -> memref<1x512xi32, #tpu.memory_space<hbm>>
    %dma_start3A_5 = tpu.memref_squeeze %dma_start3A_4 : memref<1x512xi32, #tpu.memory_space<hbm>> -> memref<512xi32, #tpu.memory_space<hbm>>
    %dma_start3A_6 = arith.constant 0 : i32
    %dma_start3A_7 = tpu.memref_slice %arg5[%dma_start3A_6] : memref<640xi32, #tpu.memory_space<vmem>> -> memref<512xi32, #tpu.memory_space<vmem>>
    %dma_start3A_8 = arith.constant 0 : i32
    %dma_start3A_9 = tpu.memref_slice %arg3[%arg1, %dma_start3A_8] : memref<16x512xi32, #tpu.memory_space<hbm>> -> memref<1x512xi32, #tpu.memory_space<hbm>>
    %dma_start3A_10 = tpu.memref_squeeze %dma_start3A_9 : memref<1x512xi32, #tpu.memory_space<hbm>> -> memref<512xi32, #tpu.memory_space<hbm>>
    tpu.enqueue_dma source(%dma_start3A_10 : memref<512xi32, #tpu.memory_space<hbm>>) target(%dma_start3A_7 : memref<512xi32, #tpu.memory_space<vmem>>) target_semaphore(%arg9 : memref<!tpu.dma_semaphore, #tpu.memory_space<semaphore_mem>>)
    %dma_start3A_11 = arith.constant 128 : i32
    %dma_start3A_12 = tpu.memref_slice %arg6[%dma_start3A_11] : memref<1152xf32, #tpu.memory_space<vmem>> -> memref<1024xf32, #tpu.memory_space<vmem>>
    %dma_start3A_13 = arith.constant 0 : i32
    %dma_start3A_14 = tpu.memref_slice %arg2[%arg1, %dma_start3A_13] : memref<16x1024xf32, #tpu.memory_space<hbm>> -> memref<1x1024xf32, #tpu.memory_space<hbm>>
    %dma_start3A_15 = tpu.memref_squeeze %dma_start3A_14 : memref<1x1024xf32, #tpu.memory_space<hbm>> -> memref<1024xf32, #tpu.memory_space<hbm>>
    %dma_start3A_16 = arith.constant 128 : i32
    %dma_start3A_17 = tpu.memref_slice %arg6[%dma_start3A_16] : memref<1152xf32, #tpu.memory_space<vmem>> -> memref<1024xf32, #tpu.memory_space<vmem>>
    %dma_start3A_18 = arith.constant 0 : i32
    %dma_start3A_19 = tpu.memref_slice %arg2[%arg1, %dma_start3A_18] : memref<16x1024xf32, #tpu.memory_space<hbm>> -> memref<1x1024xf32, #tpu.memory_space<hbm>>
    %dma_start3A_20 = tpu.memref_squeeze %dma_start3A_19 : memref<1x1024xf32, #tpu.memory_space<hbm>> -> memref<1024xf32, #tpu.memory_space<hbm>>
    tpu.enqueue_dma source(%dma_start3A_20 : memref<1024xf32, #tpu.memory_space<hbm>>) target(%dma_start3A_17 : memref<1024xf32, #tpu.memory_space<vmem>>) target_semaphore(%arg10 : memref<!tpu.dma_semaphore, #tpu.memory_space<semaphore_mem>>)
    %iota3A = tpu.iota {dimensions = array<i32: 0>} : vector<16xi32>
    %broadcast_in_dim3A_21 = arith.constant 0 : i32
    %broadcast_in_dim3A_22 = vector.broadcast %broadcast_in_dim3A_21 : i32 to vector<16xi32>
    %parallel_loop3A = arith.constant 0 : i32
    %parallel_loop3A_23 = arith.constant 256 : i32
    %parallel_loop3A_24 = arith.constant 1 : i32
    scf.for %parallel_loop3A_85 = %parallel_loop3A to %parallel_loop3A_23 step %parallel_loop3A_24  : i32 {
      %parallel_loop3A_86 = arith.constant 16 : i32
      %parallel_loop3A_87 = arith.muli %parallel_loop3A_85, %parallel_loop3A_86 : i32
      %parallel_loop3A_88 = arith.index_cast %parallel_loop3A_87 : i32 to index
      %parallel_loop3A_89 = tpu.vector_load %arg7[%parallel_loop3A_88] {strides = array<i32>} : memref<4096xi32, #tpu.memory_space<vmem>>, vector<16xi32>,
      tpu.vector_store %arg7[%parallel_loop3A_88], %broadcast_in_dim3A_22 {strides = array<i32>} : memref<4096xi32, #tpu.memory_space<vmem>>, vector<16xi32>,
    } {sc.loop_unroll_factor = 4 : i64, sc.parallel_access}
    %dma_wait3A = arith.constant 0 : i32
    %dma_wait3A_25 = tpu.memref_slice %arg5[%dma_wait3A] : memref<640xi32, #tpu.memory_space<vmem>> -> memref<512xi32, #tpu.memory_space<vmem>>
    %dma_wait3A_26 = arith.constant 0 : i32
    %dma_wait3A_27 = tpu.memref_slice %arg3[%arg1, %dma_wait3A_26] : memref<16x512xi32, #tpu.memory_space<hbm>> -> memref<1x512xi32, #tpu.memory_space<hbm>>
    %dma_wait3A_28 = tpu.memref_squeeze %dma_wait3A_27 : memref<1x512xi32, #tpu.memory_space<hbm>> -> memref<512xi32, #tpu.memory_space<hbm>>
    %dma_wait3A_29 = arith.constant 0 : i32
    %dma_wait3A_30 = tpu.memref_slice %arg5[%dma_wait3A_29] : memref<640xi32, #tpu.memory_space<vmem>> -> memref<512xi32, #tpu.memory_space<vmem>>
    %dma_wait3A_31 = arith.constant 0 : i32
    %dma_wait3A_32 = tpu.memref_slice %arg3[%arg1, %dma_wait3A_31] : memref<16x512xi32, #tpu.memory_space<hbm>> -> memref<1x512xi32, #tpu.memory_space<hbm>>
    %dma_wait3A_33 = tpu.memref_squeeze %dma_wait3A_32 : memref<1x512xi32, #tpu.memory_space<hbm>> -> memref<512xi32, #tpu.memory_space<hbm>>
    tpu.wait_dma2 semaphore(%arg9 : memref<!tpu.dma_semaphore, #tpu.memory_space<semaphore_mem>>) src(%dma_wait3A_33 : memref<512xi32, #tpu.memory_space<hbm>>) dst(%dma_wait3A_30 : memref<512xi32, #tpu.memory_space<vmem>>)
    %broadcast_in_dim3A_34 = arith.constant 4096 : i32
    %broadcast_in_dim3A_35 = vector.broadcast %broadcast_in_dim3A_34 : i32 to vector<16xi32>
    %swap3A_36 = arith.constant 512 : index
    %swap3A_37 = tpu.vector_load %arg5[%swap3A_36] {strides = array<i32>} : memref<640xi32, #tpu.memory_space<vmem>>, vector<16xi32>,
    tpu.vector_store %arg5[%swap3A_36], %broadcast_in_dim3A_35 {strides = array<i32>} : memref<640xi32, #tpu.memory_space<vmem>>, vector<16xi32>,
    %broadcast_in_dim3A_38 = arith.constant 4096 : i32
    %broadcast_in_dim3A_39 = vector.broadcast %broadcast_in_dim3A_38 : i32 to vector<16xi32>
    %swap3A_40 = arith.constant 528 : index
    %swap3A_41 = tpu.vector_load %arg5[%swap3A_40] {strides = array<i32>} : memref<640xi32, #tpu.memory_space<vmem>>, vector<16xi32>,
    tpu.vector_store %arg5[%swap3A_40], %broadcast_in_dim3A_39 {strides = array<i32>} : memref<640xi32, #tpu.memory_space<vmem>>, vector<16xi32>,
    %broadcast_in_dim3A_42 = arith.constant 4096 : i32
    %broadcast_in_dim3A_43 = vector.broadcast %broadcast_in_dim3A_42 : i32 to vector<16xi32>
    %swap3A_44 = arith.constant 544 : index
    %swap3A_45 = tpu.vector_load %arg5[%swap3A_44] {strides = array<i32>} : memref<640xi32, #tpu.memory_space<vmem>>, vector<16xi32>,
    tpu.vector_store %arg5[%swap3A_44], %broadcast_in_dim3A_43 {strides = array<i32>} : memref<640xi32, #tpu.memory_space<vmem>>, vector<16xi32>,
    %broadcast_in_dim3A_46 = arith.constant 4096 : i32
    %broadcast_in_dim3A_47 = vector.broadcast %broadcast_in_dim3A_46 : i32 to vector<16xi32>
    %swap3A_48 = arith.constant 560 : index
    %swap3A_49 = tpu.vector_load %arg5[%swap3A_48] {strides = array<i32>} : memref<640xi32, #tpu.memory_space<vmem>>, vector<16xi32>,
    tpu.vector_store %arg5[%swap3A_48], %broadcast_in_dim3A_47 {strides = array<i32>} : memref<640xi32, #tpu.memory_space<vmem>>, vector<16xi32>,
    %broadcast_in_dim3A_50 = arith.constant 4096 : i32
    %broadcast_in_dim3A_51 = vector.broadcast %broadcast_in_dim3A_50 : i32 to vector<16xi32>
    %swap3A_52 = arith.constant 576 : index
    %swap3A_53 = tpu.vector_load %arg5[%swap3A_52] {strides = array<i32>} : memref<640xi32, #tpu.memory_space<vmem>>, vector<16xi32>,
    tpu.vector_store %arg5[%swap3A_52], %broadcast_in_dim3A_51 {strides = array<i32>} : memref<640xi32, #tpu.memory_space<vmem>>, vector<16xi32>,
    %broadcast_in_dim3A_54 = arith.constant 4096 : i32
    %broadcast_in_dim3A_55 = vector.broadcast %broadcast_in_dim3A_54 : i32 to vector<16xi32>
    %swap3A_56 = arith.constant 592 : index
    %swap3A_57 = tpu.vector_load %arg5[%swap3A_56] {strides = array<i32>} : memref<640xi32, #tpu.memory_space<vmem>>, vector<16xi32>,
    tpu.vector_store %arg5[%swap3A_56], %broadcast_in_dim3A_55 {strides = array<i32>} : memref<640xi32, #tpu.memory_space<vmem>>, vector<16xi32>,
    %broadcast_in_dim3A_58 = arith.constant 4096 : i32
    %broadcast_in_dim3A_59 = vector.broadcast %broadcast_in_dim3A_58 : i32 to vector<16xi32>
    %swap3A_60 = arith.constant 608 : index
    %swap3A_61 = tpu.vector_load %arg5[%swap3A_60] {strides = array<i32>} : memref<640xi32, #tpu.memory_space<vmem>>, vector<16xi32>,
    tpu.vector_store %arg5[%swap3A_60], %broadcast_in_dim3A_59 {strides = array<i32>} : memref<640xi32, #tpu.memory_space<vmem>>, vector<16xi32>,
    %broadcast_in_dim3A_62 = arith.constant 4096 : i32
    %broadcast_in_dim3A_63 = vector.broadcast %broadcast_in_dim3A_62 : i32 to vector<16xi32>
    %swap3A_64 = arith.constant 624 : index
    %swap3A_65 = tpu.vector_load %arg5[%swap3A_64] {strides = array<i32>} : memref<640xi32, #tpu.memory_space<vmem>>, vector<16xi32>,
    tpu.vector_store %arg5[%swap3A_64], %broadcast_in_dim3A_63 {strides = array<i32>} : memref<640xi32, #tpu.memory_space<vmem>>, vector<16xi32>,
    %parallel_loop3A_66 = arith.constant 0 : i32
    %parallel_loop3A_67 = arith.constant 32 : i32
    %parallel_loop3A_68 = arith.constant 1 : i32
    scf.for %parallel_loop3A_85 = %parallel_loop3A_66 to %parallel_loop3A_67 step %parallel_loop3A_68  : i32 {
      %parallel_loop3A_86 = arith.constant 16 : i32
      %parallel_loop3A_87 = arith.muli %parallel_loop3A_85, %parallel_loop3A_86 : i32
      %parallel_loop3A_88 = arith.index_cast %parallel_loop3A_87 : i32 to index
      %parallel_loop3A_89 = tpu.vector_load %arg5[%parallel_loop3A_88] {strides = array<i32>} : memref<640xi32, #tpu.memory_space<vmem>>, vector<16xi32>,
      %parallel_loop3A_90 = arith.constant 1 : i32
      %parallel_loop3A_91 = arith.addi %parallel_loop3A_87, %parallel_loop3A_90 : i32
      %parallel_loop3A_92 = vector.broadcast %parallel_loop3A_91 : i32 to vector<16xi32>
      %parallel_loop3A_93 = arith.addi %iota3A, %parallel_loop3A_92 : vector<16xi32>
      %parallel_loop3A_94 = tpu.vector_load_idx %arg5[%parallel_loop3A_93] : memref<640xi32, #tpu.memory_space<vmem>>[vector<16xi32>], vector<16xi32>,
      %parallel_loop3A_95 = arith.cmpi sgt, %parallel_loop3A_94, %parallel_loop3A_89 : vector<16xi32>
      %parallel_loop3A_96 = arith.constant 64 : i32
      %parallel_loop3A_97 = arith.addi %parallel_loop3A_87, %parallel_loop3A_96 : i32
      %parallel_loop3A_98 = vector.broadcast %parallel_loop3A_97 : i32 to vector<16xi32>
      %parallel_loop3A_99 = arith.addi %iota3A, %parallel_loop3A_98 : vector<16xi32>
      tpu.vector_store_idx %arg7[%parallel_loop3A_89], %parallel_loop3A_99 masked %parallel_loop3A_95 : memref<4096xi32, #tpu.memory_space<vmem>>[vector<16xi32>], vector<16xi32>, vector<16xi1>
    } {sc.loop_unroll_factor = 4 : i64, sc.parallel_access}
    %dma_wait3A_69 = arith.constant 128 : i32
    %dma_wait3A_70 = tpu.memref_slice %arg6[%dma_wait3A_69] : memref<1152xf32, #tpu.memory_space<vmem>> -> memref<1024xf32, #tpu.memory_space<vmem>>
    %dma_wait3A_71 = arith.constant 0 : i32
    %dma_wait3A_72 = tpu.memref_slice %arg2[%arg1, %dma_wait3A_71] : memref<16x1024xf32, #tpu.memory_space<hbm>> -> memref<1x1024xf32, #tpu.memory_space<hbm>>
    %dma_wait3A_73 = tpu.memref_squeeze %dma_wait3A_72 : memref<1x1024xf32, #tpu.memory_space<hbm>> -> memref<1024xf32, #tpu.memory_space<hbm>>
    %dma_wait3A_74 = arith.constant 128 : i32
    %dma_wait3A_75 = tpu.memref_slice %arg6[%dma_wait3A_74] : memref<1152xf32, #tpu.memory_space<vmem>> -> memref<1024xf32, #tpu.memory_space<vmem>>
    %dma_wait3A_76 = arith.constant 0 : i32
    %dma_wait3A_77 = tpu.memref_slice %arg2[%arg1, %dma_wait3A_76] : memref<16x1024xf32, #tpu.memory_space<hbm>> -> memref<1x1024xf32, #tpu.memory_space<hbm>>
    %dma_wait3A_78 = tpu.memref_squeeze %dma_wait3A_77 : memref<1x1024xf32, #tpu.memory_space<hbm>> -> memref<1024xf32, #tpu.memory_space<hbm>>
    tpu.wait_dma2 semaphore(%arg10 : memref<!tpu.dma_semaphore, #tpu.memory_space<semaphore_mem>>) src(%dma_wait3A_78 : memref<1024xf32, #tpu.memory_space<hbm>>) dst(%dma_wait3A_75 : memref<1024xf32, #tpu.memory_space<vmem>>)
    %parallel_loop3A_79 = arith.constant 0 : i32
    %parallel_loop3A_80 = arith.constant 256 : i32
    %parallel_loop3A_81 = arith.constant 1 : i32
    %parallel_loop3A_82 = arith.constant 0 : i32
    %parallel_loop3A_83 = scf.for %parallel_loop3A_85 = %parallel_loop3A_79 to %parallel_loop3A_80 step %parallel_loop3A_81 iter_args(%parallel_loop3A_86 = %parallel_loop3A_82) -> (i32)  : i32 {
      %parallel_loop3A_87 = arith.constant 16 : i32
      %parallel_loop3A_88 = arith.muli %parallel_loop3A_85, %parallel_loop3A_87 : i32
      %parallel_loop3A_89 = arith.index_cast %parallel_loop3A_88 : i32 to index
      %parallel_loop3A_90 = tpu.vector_load %arg7[%parallel_loop3A_89] {strides = array<i32>} : memref<4096xi32, #tpu.memory_space<vmem>>, vector<16xi32>,
      %parallel_loop3A_91 = arith.constant true
      %parallel_loop3A_92 = vector.broadcast %parallel_loop3A_91 : i1 to vector<16xi1>
      %parallel_loop3A_93 = arith.constant -2147483648 : i32
      %parallel_loop3A_94 = vector.broadcast %parallel_loop3A_93 : i32 to vector<16xi32>
      %parallel_loop3A_95 = arith.xori %parallel_loop3A_90, %parallel_loop3A_94 : vector<16xi32>
      %parallel_loop3A_96 = tpu.scan <max>, %parallel_loop3A_95 masked %parallel_loop3A_92 : vector<16xi32>, vector<16xi1> -> vector<16xi32>
      %parallel_loop3A_97 = arith.xori %parallel_loop3A_96, %parallel_loop3A_94 : vector<16xi32>
      %parallel_loop3A_98 = vector.broadcast %parallel_loop3A_86 : i32 to vector<16xi32>
      %parallel_loop3A_99 = arith.maxsi %parallel_loop3A_97, %parallel_loop3A_98 : vector<16xi32>
      %parallel_loop3A_100 = arith.constant 2 : i32
      %parallel_loop3A_101 = vector.broadcast %parallel_loop3A_100 : i32 to vector<16xi32>
      %parallel_loop3A_102 = arith.muli %parallel_loop3A_99, %parallel_loop3A_101 : vector<16xi32>
      %parallel_loop3A_103 = vector.broadcast %arg0 : i32 to vector<16xi32>
      %parallel_loop3A_104 = arith.addi %parallel_loop3A_102, %parallel_loop3A_103 : vector<16xi32>
      %parallel_loop3A_105 = tpu.vector_load_idx %arg6[%parallel_loop3A_104] : memref<1152xf32, #tpu.memory_space<vmem>>[vector<16xi32>], vector<16xf32>,
      %parallel_loop3A_106 = arith.constant 16 : i32
      %parallel_loop3A_107 = arith.muli %parallel_loop3A_85, %parallel_loop3A_106 : i32
      %parallel_loop3A_108 = arith.index_cast %parallel_loop3A_107 : i32 to index
      %parallel_loop3A_109 = tpu.vector_load %arg8[%parallel_loop3A_108] {strides = array<i32>} : memref<4096xf32, #tpu.memory_space<vmem>>, vector<16xf32>,
      tpu.vector_store %arg8[%parallel_loop3A_108], %parallel_loop3A_105 {strides = array<i32>} : memref<4096xf32, #tpu.memory_space<vmem>>, vector<16xf32>,
      %parallel_loop3A_110 = arith.constant true
      %parallel_loop3A_111 = vector.broadcast %parallel_loop3A_110 : i1 to vector<16xi1>
      %parallel_loop3A_112 = arith.constant -2147483648 : i32
      %parallel_loop3A_113 = vector.broadcast %parallel_loop3A_112 : i32 to vector<16xi32>
      %parallel_loop3A_114 = arith.xori %parallel_loop3A_90, %parallel_loop3A_113 : vector<16xi32>
      %parallel_loop3A_115 = tpu.scan <max>, %parallel_loop3A_114 masked %parallel_loop3A_111 : vector<16xi32>, vector<16xi1> -> vector<16xi32>
      %parallel_loop3A_116 = arith.xori %parallel_loop3A_115, %parallel_loop3A_113 : vector<16xi32>
      %parallel_loop3A_117 = vector.extract %parallel_loop3A_116[15] : i32 from vector<16xi32>
      %parallel_loop3A_118 = arith.maxsi %parallel_loop3A_86, %parallel_loop3A_117 : i32
      scf.yield %parallel_loop3A_118 : i32
    } {sc.loop_unroll_factor = 4 : i64, sc.parallel_access}
    %mul3A = arith.constant 16 : i32
    %mul3A_84 = arith.muli %arg0, %mul3A : i32
    %add3A = arith.addi %mul3A_84, %arg1 : i32
    "tpu.region"() ({
      %run_scoped3A = tpu.sem_alloc : memref<!tpu.dma_semaphore, #tpu.memory_space<semaphore_mem>>
      %dma_start3A_85 = arith.constant 0 : i32
      %dma_start3A_86 = tpu.memref_slice %arg4[%add3A, %dma_start3A_85] : memref<32x4096xf32, #tpu.memory_space<hbm>> -> memref<1x4096xf32, #tpu.memory_space<hbm>>
      %dma_start3A_87 = tpu.memref_squeeze %dma_start3A_86 : memref<1x4096xf32, #tpu.memory_space<hbm>> -> memref<4096xf32, #tpu.memory_space<hbm>>
      %dma_start3A_88 = arith.constant 0 : i32
      %dma_start3A_89 = tpu.memref_slice %arg4[%add3A, %dma_start3A_88] : memref<32x4096xf32, #tpu.memory_space<hbm>> -> memref<1x4096xf32, #tpu.memory_space<hbm>>
      %dma_start3A_90 = tpu.memref_squeeze %dma_start3A_89 : memref<1x4096xf32, #tpu.memory_space<hbm>> -> memref<4096xf32, #tpu.memory_space<hbm>>
      tpu.enqueue_dma source(%arg8 : memref<4096xf32, #tpu.memory_space<vmem>>) target(%dma_start3A_90 : memref<4096xf32, #tpu.memory_space<hbm>>) target_semaphore(%run_scoped3A : memref<!tpu.dma_semaphore, #tpu.memory_space<semaphore_mem>>)
      %dma_wait3A_91 = arith.constant 0 : i32
      %dma_wait3A_92 = tpu.memref_slice %arg4[%add3A, %dma_wait3A_91] : memref<32x4096xf32, #tpu.memory_space<hbm>> -> memref<1x4096xf32, #tpu.memory_space<hbm>>
      %dma_wait3A_93 = tpu.memref_squeeze %dma_wait3A_92 : memref<1x4096xf32, #tpu.memory_space<hbm>> -> memref<4096xf32, #tpu.memory_space<hbm>>
      %dma_wait3A_94 = arith.constant 0 : i32
      %dma_wait3A_95 = tpu.memref_slice %arg4[%add3A, %dma_wait3A_94] : memref<32x4096xf32, #tpu.memory_space<hbm>> -> memref<1x4096xf32, #tpu.memory_space<hbm>>
      %dma_wait3A_96 = tpu.memref_squeeze %dma_wait3A_95 : memref<1x4096xf32, #tpu.memory_space<hbm>> -> memref<4096xf32, #tpu.memory_space<hbm>>
      tpu.wait_dma2 semaphore(%run_scoped3A : memref<!tpu.dma_semaphore, #tpu.memory_space<semaphore_mem>>) src(%arg8 : memref<4096xf32, #tpu.memory_space<vmem>>) dst(%dma_wait3A_96 : memref<4096xf32, #tpu.memory_space<hbm>>)
      tpu.yield
    }) : () -> ()
    return
  }
}

</mosaic_0001>

<sc_bundles>
// kernel: kernel.3.cloned.1.call-start
scs
__scs_entry_jumppad:
0x0: {  	(pc) =	sbr.rel $0x88, $3  }
0x1: {  	(tag) =	ssettag $0x0;
	lr =	simm.s32 $0x1  }
0x2: {  	[smem:$0x3F9F] =	sst lr;
	_ =	strace $0xD0000000  }
0x3: {  	_ = 	snop  }
0x4: {  	_ = 	snop  }
0x5: {  	_ = 	snop  }
0x6: {  	_ = 	snop  }
0x7: {  	_ = 	snop  }
__scs_overlays_trampoline_lowered:
0x8: {  	[smem:$0x3FAE] =	sst s0  }
0x9: {  	[smem:$0x3FAF] =	sst s1  }
0xa: {  	[smem:$0x3FB0] =	sst s2  }
0xb: {  	[smem:$0x3FB1] =	sst s3  }
0xc: {  	[smem:$0x3FB2] =	sst s4  }
0xd: {  	[smem:$0x3FB3] =	sst s5  }
0xe: {  	[smem:$0x3FB4] =	sst s6  }
0xf: {  	[smem:$0x3FB5] =	sst s7  }
0x10: {  	[smem:$0x3FB6] =	sst s8  }
0x11: {  	[smem:$0x3FB7] =	sst s9;
	s0 =	simm.s32 @!p0 $0x0  }
0x12: {  	s1 =	sld [smem:$0x3F9D];
	s0 =	simm.s32 @p0 $0x1  }
0x13: {  	[smem:$0x3FB8] =	sst s0;
	s0 =	simm.s32 @!p1 $0x0  }
0x14: {  	s2 =	sld [smem:$0x3F9C];
	s0 =	simm.s32 @p1 $0x1  }
0x15: {  	[smem:$0x3FB9] =	sst s0;
	s0 =	simm.s32 @!p2 $0x0  }
0x16: {  	s3 =	sld [smem:$0x3FDB];
	s0 =	simm.s32 @p2 $0x1  }
0x17: {  	s4 =	simm.s32 $0x1BF5;
	[smem:$0x3FBB] =	sst s0  }
0x18: {  	s0 =	sld [smem:$0x3F9E];
	_ =	swait.ge [sflag:s4], $0x0  }
0x19: {  	s7 =	sld [smem:$0x3F9F]  }
0x1a: {  	s8 =	sadd.s32 $0xFFFFE003, lr  }
0x1b: {  	s9 =	sadd.s32 $0xFFFFFEF7, lr;
	s5 =	simm.s32 $0xFFFFFFFF;
	p2 =	slt.u32 s8, $0xFFFFF086  }
0x1c: {  	p1 =	slt.u32 s9, $0xF7A;
	s5 =	simm.s32 @!p2 $0x0  }
0x1d: {  	s5 =	simm.s32 @p1 $0x1;
	p0 =	seq.s32 s7, s2  }
0x1e: {  	s7 =	smul.u32 @!p0 $0xF7A, s2;
	p2 =	seq.s32 @!p0 s5, $0x0  }
0x1f: {  	s9 =	smul.u32 $0xF7A, s1;
	s8 =	simm.s32 @!p0 $0x1BF5;
	p2 =	por !p2, p0  }
0x20: {  	[sflag:s8] =	ssyncset.s32 @!p0 $0xFFFFF086;
	s6 =	sadd.s32 @!p0 s3, s7;
	s7 =	simm.s32 @!p0 $0x108  }
0x21: {  	s3 =	sadd.s32 s3, s9;
	s6 =	sadd.s32 @!p0 $0x88, s6;
	s7 =	simm.s32 @p2 $0x1082  }
0x22: {  	[simem:s7], [sflag:s8] =	dma.local @!p0 [hbm:s6], $0xF7A  }
0x23: {  	s9 =	sor.u32 $0xD0000000, s2;
	s6 =	simm.s32 $0x108;
	_ =	swait.ge @!p0 [sflag:s8], $0x0  }
0x24: {  	s3 =	sadd.s32 $0x88, s3;
	s6 =	simm.s32 @!p1 $0x1082;
	[sflag:s4] =	ssyncset.s32 $0xFFFFF086  }
0x25: {  	[simem:s6], [sflag:s4] =	dma.local [hbm:s3], $0xF7A  }
0x26: {  	[smem:$0x3F9F] =	sst s1;
	(tag) =	ssettag s2;
	_ =	strace s9  }
0x27: {  	s1 =	sld [smem:$0x3FAF]  }
0x28: {  	s2 =	sld [smem:$0x3FB0]  }
0x29: {  	s4 =	sld [smem:$0x3FB2]  }
0x2a: {  	p0 =	seq.s32 s5, $0x0;
	s5 =	sld [smem:$0x3FB3]  }
0x2b: {  	s6 =	sld [smem:$0x3FB4]  }
0x2c: {  	s7 =	sld [smem:$0x3FB5]  }
0x2d: {  	s3 =	simm.s32 $0x108;
	s8 =	sld [smem:$0x3FB6]  }
0x2e: {  	s3 =	simm.s32 @!p0 $0x1082;
	s9 =	sld [smem:$0x3FB7]  }
0x2f: {  	lr =	sadd.s32 s0, s3;
	s0 =	sld [smem:$0x3FAE]  }
0x30: {  	s3 =	sld [smem:$0x3FB1]  }
0x31: {  	[smem:$0x3FBA] =	sst s10  }
0x32: {  	s10 =	sld [smem:$0x3FB8];
	_ =	sdelay $0x3  }
0x33: {  	p0 =	seq.s32 s10, $0x1;
	s10 =	sld [smem:$0x3FBA];
	_ =	sdelay $0x3  }
0x34: {  	[smem:$0x3FBA] =	sst s10  }
0x35: {  	s10 =	sld [smem:$0x3FB9];
	_ =	sdelay $0x3  }
0x36: {  	p1 =	seq.s32 s10, $0x1;
	s10 =	sld [smem:$0x3FBA];
	_ =	sdelay $0x3  }
0x37: {  	[smem:$0x3FBA] =	sst s10  }
0x38: {  	s10 =	sld [smem:$0x3FBB]  }
0x39: {  	_ = 	snop;
	(pc) =	sbr.ind lr, $3  }
0x3a: {  	_ = 	snop  }
0x3b: {  	_ = 	snop  }
0x3c: {  	p2 =	seq.s32 s10, $0x1;
	s10 =	sld [smem:$0x3FBA]  }
0x3d: {  	_ =	shalt  }
0x3e: {  	_ =	shalt  }
0x3f: {  	_ =	shalt  }
0x40: {  	_ =	shalt  }
0x41: {  	_ =	shalt  }
0x42: {  	_ =	shalt  }
0x43: {  	_ =	shalt  }
0x44: {  	_ =	shalt  }
0x45: {  	_ =	shalt  }
0x46: {  	_ =	shalt  }
0x47: {  	_ =	shalt  }
0x48: {  	_ =	shalt  }
0x49: {  	_ =	shalt  }
0x4a: {  	_ =	shalt  }
0x4b: {  	_ =	shalt  }
0x4c: {  	_ =	shalt  }
0x4d: {  	_ =	shalt  }
0x4e: {  	_ =	shalt  }
0x4f: {  	_ =	shalt  }
0x50: {  	_ =	shalt  }
0x51: {  	_ =	shalt  }
0x52: {  	_ =	shalt  }
0x53: {  	_ =	shalt  }
0x54: {  	_ =	shalt  }
0x55: {  	_ =	shalt  }
0x56: {  	_ =	shalt  }
0x57: {  	_ =	shalt  }
0x58: {  	_ =	shalt  }
0x59: {  	_ =	shalt  }
0x5a: {  	_ =	shalt  }
0x5b: {  	_ =	shalt  }
0x5c: {  	_ =	shalt  }
0x5d: {  	_ =	shalt  }
0x5e: {  	_ =	shalt  }
0x5f: {  	_ =	shalt  }
0x60: {  	_ =	shalt  }
0x61: {  	_ =	shalt  }
0x62: {  	_ =	shalt  }
0x63: {  	_ =	shalt  }
0x64: {  	_ =	shalt  }
0x65: {  	_ =	shalt  }
0x66: {  	_ =	shalt  }
0x67: {  	_ =	shalt  }
0x68: {  	_ =	shalt  }
0x69: {  	_ =	shalt  }
0x6a: {  	_ =	shalt  }
0x6b: {  	_ =	shalt  }
0x6c: {  	_ =	shalt  }
0x6d: {  	_ =	shalt  }
0x6e: {  	_ =	shalt  }
0x6f: {  	_ =	shalt  }
0x70: {  	_ =	shalt  }
0x71: {  	_ =	shalt  }
0x72: {  	_ =	shalt  }
0x73: {  	_ =	shalt  }
0x74: {  	_ =	shalt  }
0x75: {  	_ =	shalt  }
0x76: {  	_ =	shalt  }
0x77: {  	_ =	shalt  }
0x78: {  	_ =	shalt  }
0x79: {  	_ =	shalt  }
0x7a: {  	_ =	shalt  }
0x7b: {  	_ =	shalt  }
0x7c: {  	_ =	shalt  }
0x7d: {  	_ =	shalt  }
0x7e: {  	_ =	shalt  }
0x7f: {  	_ =	shalt  }
0x80: {  	_ =	shalt  }
0x81: {  	_ =	shalt  }
0x82: {  	_ =	shalt  }
0x83: {  	_ =	shalt  }
0x84: {  	_ =	shalt  }
0x85: {  	_ =	shalt  }
0x86: {  	_ =	shalt  }
0x87: {  	_ =	shalt  }
.Lfunc_end0:
.L_simem_size_0:
called_computation_lowered:
.L_overlay_start_0:
0x88: {  	s2 =	sld [smem:$0x3FD9]  }
0x89: {  	s3 =	sld [smem:$0x3FFE];
	_ =	sdelay $0x1  }
0x8a: {  	s1 =	srdreg.scid  }
0x8b: {  	s0 =	sand.u32 $0x1, s1  }
0x8c: {  	s17 =	sshll.u32 s0, $0xA;
	s2 =	sadd.s32 s3, s2  }
0x8d: {  	s2 =	sadd.s32 s2, s17  }
0x8e: {  	[smem:$0x3FC6] =	sst s2  }
0x8f: {  	_ = 	snop  }
0x90: {  	s2 =	sld [smem:$0x3FC8]  }
0x91: {  	s18 =	sld [smem:$0x3FD0];
	(tm) =	ssettm $0x1  }
0x92: {  	s4 =	sld [smem:$0x3FFB];
	_ =	sdelay $0x3  }
0x93: {  	_ =	strace s4  }
0x94: {  	s4 =	sld [smem:$0x3FFC];
	_ =	sdelay $0x3  }
0x95: {  	_ =	strace s4  }
0x96: {  	s4 =	sld [smem:$0x3FFD];
	_ =	sdelay $0x3  }
0x97: {  	_ =	strace s4  }
0x98: {  	_ =	strace $0x8FFFFFFF  }
0x99: {  	s19 =	sld [smem:$0x3FDB];
	_ =	sdelay $0x1  }
0x9a: {  	s5 =	simm.s32 $_scs_section_size  }
0x9b: {  	s6 =	simm.s32 $_size__tile_overlayer_lowered;
	s7 =	simm.s32 $_tile_overlayer_lowered  }
0x9c: {  	s22 =	simm.s32 $0x1BFF;
	s21 =	sshll.u32 s7, $0x1;
	s4 =	sadd.s32 s5, s19  }
0x9d: {  	s8 =	simm.s32 $0x0;
	s20 =	sshll.u32 s6, $0x1;
	s6 =	sadd.s32 s21, s4  }
0x9e: {  	[timem:s8], [sflag:s22] =	dma.local [hbm:s6], s20  }
0x9f: {  	_ =	swait.ge [sflag:s22], s20  }
0xa0: {  	s5 =	ssub.s32 $0x0, s20;
	[sflag:s22] =	ssyncset.done $0x0  }
0xa1: {  	[sflag:s22] =	ssyncadd.s32 s5;
	_ =	sdelay $0x1  }
0xa2: {  	s23 =	simm.s32 $0x1B8B  }
0xa3: {  	_ =	swait.ge [sflag:s23], $0x1  }
0xa4: {  	[sflag:s23] =	ssyncset.done $0x0  }
0xa5: {  	s25 =	simm.s32 $0x1B8E;
	s24 =	sld [smem:$0x3FFE];
	[sflag:s23] =	ssyncadd.s32 $0xFFFFFFFF  }
0xa6: {  	s26 =	simm.s32 $execute0_lowered;
	[smem:$0x3FD2] =	sst s25  }
0xa7: {  	s6 =	sshll.u32 s26, $0x1;
	_ =	strace $0x80000046;
	[dreg:$0x1] =	wrdreg $0xFFFFFFFF  }
0xa8: {  	s28 =	simm.s32 $_size_execute0_lowered;
	s4 =	sadd.s32 s4, s6;
	[dreg:$0x0] =	wrdreg $0x0  }
0xa9: {  	s6 =	sshll.u32 s28, $0x1;
	[dreg:$0x2] =	wrdreg s4  }
0xaa: {  	[dreg:$0x3] =	wrdreg s6  }
0xab: {  	[dreg:$0x4] =	wrdreg $0xC0  }
0xac: {  	_ =	task [dreg:s8], $0x5FFFF  }
0xad: {  	[dreg:$0x1] =	wrdreg $0xFFFFFFFF  }
0xae: {  	[dreg:$0x0] =	wrdreg $0x60  }
0xaf: {  	[dreg:$0x2] =	wrdreg s24  }
0xb0: {  	[dreg:$0x3] =	wrdreg s2  }
0xb1: {  	[dreg:$0x4] =	wrdreg s18  }
0xb2: {  	[dreg:$0x5] =	wrdreg $0x9  }
0xb3: {  	_ =	task.clear_ibuf [dreg:s8], $0x6FFFF;
	_ =	strace $0x90000046  }
0xb4: {  	s29 =	simm.s32 $0x9;
	_ =	strace $0x80000048  }
0xb5: {  	_ =	swait.ge [sflag:s29], $0x1  }
0xb6: {  	[sflag:s29] =	ssyncadd.s32 $0xFFFFFFFF  }
0xb7: {  	_ =	strace $0x90000048  }
0xb8: {  	_ =	sfence  }
0xb9: {  	s30 =	sld [smem:$0x0];
	_ =	sdelay $0x2  }
0xba: {  	s31 =	sshll.u32 s1, $0xD;
	s1 =	sshrl.u32 s1, $0x2  }
0xbb: {  	s3 =	sand.u32 $0x4000, s31;
	s1 =	sadd.s32 s1, s30  }
0xbc: {  	s0 =	sor.u32 s3, s0;
	s1 =	sshll.u32 s1, $0x11  }
0xbd: {  	s0 =	sor.u32 s1, s0  }
0xbe: {  	s0 =	sadd.s32 $0x8F2B, s0  }
0xbf: {  	[sflag:s0] =	ssyncadd.remote.s32 $0x1  }
0xc0: {  	_ =	sfence.sel $0xFFFF  }
0xc1: {  	[dreg:$0x0] =	wrdreg $0xFFFFFFFF;
	(pc) =	sbr.abs _section_cstart, $3  }
0xc2: {  	[dreg:$0x1] =	wrdreg $0xFFFFFFFF  }
0xc3: {  	_ =	task.clear_ibuf [dreg:s8], $0x2FFFF;
	_ =	strace $0x9FFFFFFF  }
0xc4: {  	(tm) =	ssettm $0x7FFFFFFF  }
0xc5: {  	_ =	shalt  }
tec
execute0_lowered:
.L_overlay_start_1:
0x0: {  	(tag) =	ssettag $0x1  }
0x1: {  	s3 =	rddreg [dreg:$0x0]  }
0x2: {  	s4 =	rddreg [dreg:$0x1]  }
0x3: {  	s5 =	rddreg [dreg:$0x2];
	s1 =	stileid.u32  }
0x4: {  	s0 =	rddreg [dreg:$0x3];
	s2 =	simm.s32 $0x0;
	s9 =	srdreg.scid  }
0x5: {  	s13 =	simm.s32 $0x280;
	s14 =	simm.s32 $0x1700;
	s15 =	simm.s32 $0x3  }
0x6: {  	s16 =	simm.s32 $0x0;
	s6 =	sshrl.u32 s1, $0x3;
	s7 =	sshll.u32 s1, $0x7  }
0x7: {  	[smem:$0x7FF] =	sst s2;
	s11 =	sand.u32 $0x1, s9;
	s28 =	sshll.u32 s1, $0xC  }
0x8: {  	s7 =	sand.u32 $0x380, s7;
	s8 =	sshll.u32 s6, $0xD;
	_ =	strace $0x80000047  }
0x9: {  	s26 =	ssub.s32 $0x2, s11;
	s6 =	sshll.u32 s6, $0xC;
	s10 =	sshll.u32 s11, $0x10  }
0xa: {  	s9 =	sand.u32 $0x8000, s28;
	v0 =	vmov s11;
	s11 =	simm.s32 $0x700;
	s8 =	sor.u32 s7, s8  }
0xb: {  	s12 =	sshrl.u32 s26, $0x1;
	s6 =	sor.u32 s7, s6;
	s9 =	sor.u32 s10, s9  }
0xc: {  	s10 =	simm.s32 $0x1;
	s8 =	sshrl.u32 s8, $0x3;
	s29 =	ssub.s32 s26, s12  }
0xd: {  	s30 =	sshrl.u32 s6, $0x3;
	s31 =	sor.u32 s7, s9;
	s7 =	simm.s32 $0x80  }
0xe: {  	s9 =	simm.s32 $0x300;
	s12 =	simm.s32 $0x2;
	s8 =	sadd.s32 s8, s3  }
0xf: {  	v1 =	vimm.f32 $0.0e+00;
	s3 =	sadd.s32 s4, s30;
	s6 =	sshrl.u32 s31, $0x3;
	s4 =	sadd.s32 $0x400, s8  }
0x10: {  	v2 =	vimm.s32 $0x0;
	v3 =	vimm.s32 $0x1000;
	v4 =	vlaneseq.u32;
	s5 =	sadd.s32 s5, s6;
	s6 =	smax.u32 s29, $0x1;
	s8 =	simm.s32 $0x400  }
.LBB2_1:
0x11: {  	[tilespmem:$0x280] =	vst v1  }
0x12: {  	[tilespmem:s2], [sflag:$0x1] =	stream.strided.gather [hbm4b:s3+s7], $0x200, s8, s7, $0x38;
	[tilespmem:$0x2700] =	vst v63  }
0x13: {  	s17 =	simm.s32 $0x720  }
0x14: {  	[tilespmem:s9], [sflag:$0x2] =	stream.strided.gather [hbm4b:s4+s7], $0x400, s8, s7, $0x38;
	[tilespmem:$0x2700] =	vst v63  }
0x15: {  	[tilespmem:s17+$0xFFFFFFE0] =	vst v2  }
0x16: {  	[tilespmem:s17+$0x10] =	vst v2  }
0x17: {  	s18 =	simm.s32 $0x0;
	[tilespmem:s17+$0x0] =	vst v2  }
.LBB2_2:
0x18: {  	s18 =	sadd.s32 $0x4, s18  }
0x19: {  	[tilespmem:s17+$0xFFFFFFF0] =	vst v2;
	s17 =	sadd.s32 $0x40, s17;
	p0 =	slt.u32 s18, $0xFC  }
.Ltmp0:
0x1a: {  	[tilespmem:s17+$0xFFFFFFE0] =	vst v2;
	(pc) =	sbr.rel @p0 .LBB2_2-.Ltmp0, $3  }
0x1b: {  	_ =	sdelay $0x1  }
0x1c: {  	[tilespmem:s17+$0x10] =	vst v2  }
0x1d: {  	[tilespmem:s17+$0x0] =	vst v2  }
0x1e: {  	[tilespmem:s17+$0xFFFFFFF0] =	vst v2  }
0x1f: {  	_ =	swait.ge [sflag:s10], $0x200  }
0x20: {  	[sflag:s10] =	ssyncset.done $0x0  }
0x21: {  	[sflag:s10] =	ssyncadd.s32 $0xFFFFFE00  }
0x22: {  	[tilespmem:$0x200] =	vst v3  }
0x23: {  	[tilespmem:$0x210] =	vst v3  }
0x24: {  	[tilespmem:$0x220] =	vst v3  }
0x25: {  	[tilespmem:$0x230] =	vst v3  }
0x26: {  	[tilespmem:$0x240] =	vst v3  }
0x27: {  	s18 =	simm.s32 $0x1;
	[tilespmem:$0x250] =	vst v3  }
0x28: {  	s19 =	simm.s32 $0x11;
	v5 =	vadd.s32 s18, v4;
	[tilespmem:$0x260] =	vst v3  }
0x29: {  	s20 =	simm.s32 $0x21;
	s18 =	simm.s32 $0x20;
	v6 =	vadd.s32 s19, v4;
	[tilespmem:$0x270] =	vst v3  }
0x2a: {  	s21 =	simm.s32 $0x31;
	v7 =	vadd.s32 s20, v4;
	v9 =	vld [tilespmem:s18+$0xFFFFFFF0]  }
0x2b: {  	v8 =	vadd.s32 s21, v4;
	v14 =	vld [tilespmem:s18+$0x10]  }
0x2c: {  	v15 =	vld [tilespmem:s18+$0x0]  }
0x2d: {  	v16 =	vld.idx.msk [tilespmem:v5+s2+$0x0], $0xffff  }
0x2e: {  	v10 =	vld.idx.msk [tilespmem:v6+s2+$0x0], $0xffff  }
0x2f: {  	s22 =	simm.s32 $0x41;
	v11 =	vld.idx.msk [tilespmem:v7+s2+$0x0], $0xffff  }
0x30: {  	s23 =	simm.s32 $0x51;
	v12 =	vadd.s32 s22, v4;
	s19 =	simm.s32 $0x60;
	v13 =	vld.idx.msk [tilespmem:v8+s2+$0x0], $0xffff  }
0x31: {  	s24 =	simm.s32 $0x61;
	v17 =	vadd.s32 s23, v4;
	v6 =	vld [tilespmem:s19+$0xFFFFFFF0]  }
0x32: {  	s25 =	simm.s32 $0x71;
	v18 =	vadd.s32 s24, v4;
	v8 =	vld [tilespmem:s18+$0xFFFFFFE0]  }
0x33: {  	v19 =	vadd.s32 s25, v4;
	v5 =	vld [tilespmem:s19+$0x10];
	vm0 =	vgt.s32 v10, v9  }
0x34: {  	v7 =	vld [tilespmem:s19+$0x0]  }
0x35: {  	v12 =	vld.idx.msk [tilespmem:v12+s2+$0x0], $0xffff  }
0x36: {  	v20 =	vld.idx.msk [tilespmem:v17+s2+$0x0], $0xffff;
	vm1 =	vgt.s32 v11, v15  }
0x37: {  	s26 =	simm.s32 $0x81;
	s20 =	simm.s32 $0x50;
	v18 =	vld.idx.msk [tilespmem:v18+s2+$0x0], $0xffff;
	vm3 =	vgt.s32 v13, v14  }
0x38: {  	s28 =	simm.s32 $0x91;
	v21 =	vadd.s32 s26, v4;
	v19 =	vld.idx.msk [tilespmem:v19+s2+$0x0], $0xffff;
	s18 =	simm.s32 $0xA0;
	v10 =	vor.u32 s20, v4  }
0x39: {  	s31 =	simm.s32 $0xA1;
	v22 =	vadd.s32 s28, v4;
	v11 =	vld [tilespmem:s18+$0xFFFFFFF0];
	[tilespmem:v9+s11+$0x0] =	vst.idx.msk vm0, v10;
	vm0 =	vgt.s32 v16, v8  }
0x3a: {  	s29 =	simm.s32 $0x60;
	s21 =	simm.s32 $0xB1;
	v13 =	vld [tilespmem:s19+$0xFFFFFFE0];
	v16 =	vadd.s32 s31, v4  }
0x3b: {  	s30 =	simm.s32 $0x70;
	v17 =	vadd.s32 s21, v4;
	v9 =	vor.u32 s29, v4;
	v10 =	vld [tilespmem:s18+$0x10]  }
0x3c: {  	vm2 =	vgt.s32 v20, v6;
	[tilespmem:v15+s11+$0x0] =	vst.idx.msk vm1, v9;
	v15 =	vor.u32 s30, v4;
	v9 =	vld [tilespmem:s18+$0x0]  }
0x3d: {  	s17 =	simm.s32 $0xF0;
	s22 =	simm.s32 $0x40;
	s21 =	simm.s32 $0x130;
	[tilespmem:v14+s11+$0x0] =	vst.idx.msk vm3, v15;
	v14 =	vld.idx.msk [tilespmem:v21+s2+$0x0], $0xffff;
	vm3 =	vgt.s32 v18, v7  }
0x3e: {  	s19 =	simm.s32 $0xB0;
	s20 =	simm.s32 $0x8;
	vm1 =	vgt.s32 v19, v5;
	v15 =	vld.idx.msk [tilespmem:v22+s2+$0x0], $0xffff;
	v18 =	vor.u32 s22, v4;
	s22 =	simm.s32 $0xA0  }
.LBB2_4:
0x3f: {  	s23 =	sadd.s32 $0xFFFFFF91, s21;
	s20 =	sadd.s32 $0x4, s20;
	v19 =	vld.idx.msk [tilespmem:v16+s2+$0x0], $0xffff;
	[tilespmem:v8+s11+$0x0] =	vst.idx.msk vm0, v18;
	v8 =	vmov v13  }
0x40: {  	s18 =	sadd.s32 $0x40, s18;
	s24 =	sadd.s32 $0xFFFFFFE0, s19;
	v18 =	vadd.s32 s23, v4;
	s23 =	sadd.s32 $0xFFFFFFA1, s21;
	v20 =	vld.idx.msk [tilespmem:v17+s2+$0x0], $0xffff;
	v21 =	vmov v10  }
0x41: {  	p0 =	slt.u32 s20, $0x1C;
	vm0 =	vgt.s32 v12, v8;
	v10 =	vor.u32 s24, v4;
	s24 =	sadd.s32 $0xFFFFFFF0, s19;
	v22 =	vld [tilespmem:s18+$0xFFFFFFF0];
	v23 =	vadd.s32 s23, v4;
	s23 =	sadd.s32 $0xFFFFFFB1, s21  }
.Ltmp1:
0x42: {  	v24 =	vor.u32 s24, v4;
	v16 =	vadd.s32 s23, v4;
	s23 =	sadd.s32 $0xFFFFFFC1, s21;
	v13 =	vld [tilespmem:s22+$0xFFFFFFE0];
	[tilespmem:v6+s11+$0x0] =	vst.idx.msk vm2, v10;
	v6 =	vmov v11;
	s22 =	smov.u32 s18;
	(pc) =	sbr.rel @p0 .LBB2_4-.Ltmp1, $4  }
0x43: {  	v11 =	vor.u32 s19, v4;
	v12 =	vmovc v14;
	v10 =	vld [tilespmem:s18+$0x10];
	v17 =	vadd.s32 s23, v4;
	[tilespmem:v7+s11+$0x0] =	vst.idx.msk vm3, v24;
	v7 =	vmov v9  }
0x44: {  	vm2 =	vgt.s32 v15, v6;
	v9 =	vld [tilespmem:s18+$0x0];
	[tilespmem:v5+s11+$0x0] =	vst.idx.msk vm1, v11;
	v5 =	vmov v21  }
0x45: {  	s23 =	sadd.s32 $0xFFFFFFD0, s19;
	s19 =	smov.u32 s17;
	s17 =	smov.u32 s21;
	vm3 =	vgt.s32 v19, v7;
	v14 =	vld.idx.msk [tilespmem:v18+s2+$0x0], $0xffff  }
0x46: {  	s21 =	sadd.s32 $0x40, s21;
	vm1 =	vgt.s32 v20, v5;
	v18 =	vor.u32 s23, v4;
	v15 =	vld.idx.msk [tilespmem:v23+s2+$0x0], $0xffff;
	v11 =	vmov v22  }
0x47: {  	_ =	sdelay $0x3  }
0x48: {  	v16 =	vld.idx.msk [tilespmem:v16+s2+$0x0], $0xffff  }
0x49: {  	v17 =	vld.idx.msk [tilespmem:v17+s2+$0x0], $0xffff  }
0x4a: {  	v19 =	vld [tilespmem:s22+$0xFFFFFFE0]  }
0x4b: {  	vm4 =	vgt.s32 v12, v13  }
0x4c: {  	s18 =	sadd.s32 $0xFFFFFFE0, s19;
	vm5 =	vgt.s32 v15, v11  }
0x4d: {  	[tilespmem:v8+s11+$0x0] =	vst.idx.msk vm0, v18;
	s22 =	sadd.s32 $0xFFFFFFF0, s19;
	v8 =	vor.u32 s18, v4;
	vm0 =	vgt.s32 v16, v9  }
0x4e: {  	[tilespmem:v6+s11+$0x0] =	vst.idx.msk vm2, v8;
	v6 =	vor.u32 s22, v4;
	vm2 =	vgt.s32 v17, v10  }
0x4f: {  	s23 =	sadd.s32 $0xFFFFFFD0, s19;
	[tilespmem:v7+s11+$0x0] =	vst.idx.msk vm3, v6;
	v6 =	vor.u32 s19, v4;
	vm3 =	vgt.s32 v14, v19  }
0x50: {  	s24 =	sadd.s32 $0xFFFFFFE0, s17;
	[tilespmem:v5+s11+$0x0] =	vst.idx.msk vm1, v6;
	v5 =	vor.u32 s23, v4  }
0x51: {  	s25 =	sadd.s32 $0xFFFFFFF0, s17;
	[tilespmem:v13+s11+$0x0] =	vst.idx.msk vm4, v5;
	v5 =	vor.u32 s24, v4  }
0x52: {  	[tilespmem:v11+s11+$0x0] =	vst.idx.msk vm5, v5;
	v5 =	vor.u32 s25, v4  }
0x53: {  	s26 =	sadd.s32 $0xFFFFFFD0, s17;
	[tilespmem:v9+s11+$0x0] =	vst.idx.msk vm0, v5;
	v5 =	vor.u32 s17, v4  }
0x54: {  	[tilespmem:v10+s11+$0x0] =	vst.idx.msk vm2, v5;
	v5 =	vor.u32 s26, v4  }
0x55: {  	[tilespmem:v19+s11+$0x0] =	vst.idx.msk vm3, v5  }
0x56: {  	_ =	swait.ge [sflag:s12], $0x400  }
0x57: {  	[sflag:s12] =	ssyncset.done $0x0  }
0x58: {  	s28 =	simm.s32 $0x720;
	[sflag:s12] =	ssyncadd.s32 $0xFFFFFC00  }
0x59: {  	v5 =	vld [tilespmem:s28+$0xFFFFFFE0];
	_ =	sdelay $0x3  }
0x5a: {  	v6 =	vld [tilespmem:s28+$0xFFFFFFF0]  }
0x5b: {  	v7 =	vld [tilespmem:s28+$0x0];
	v5 =	vxor.u32 $0x80000000, v5  }
0x5c: {  	v8 =	vld [tilespmem:s28+$0x10];
	(xrf0) =	vmax.scan.msk.u32 $0xffff, v5;
	_ =	sdelay $0x1  }
0x5d: {  	s29 =	simm.s32 $0x760  }
0x5e: {  	v5 =	vxor.u32 $0x80000000, v6;
	v6 =	vld [tilespmem:s29+$0xFFFFFFE0]  }
0x5f: {  	(xrf0) =	vmax.scan.msk.u32 $0xffff, v5;
	v5 =	vxor.u32 $0x80000000, v7  }
0x60: {  	(xrf0) =	vmax.scan.msk.u32 $0xffff, v5;
	v5 =	vxor.u32 $0x80000000, v8  }
0x61: {  	v8, _, _ =	vpop (xrf0);
	(xrf0) =	vmax.scan.msk.u32 $0xffff, v5  }
0x62: {  	v7 =	vld [tilespmem:s29+$0xFFFFFFF0]  }
0x63: {  	v6 =	vxor.u32 $0x80000000, v6  }
0x64: {  	v5 =	vld [tilespmem:s29+$0x0]  }
0x65: {  	v8 =	vxor.u32 $0x80000000, v8;
	v9, _, _ =	vpop (xrf0)  }
0x66: {  	v10 =	vld [tilespmem:s29+$0x10];
	(xrf0) =	vmax.scan.msk.u32 $0xffff, v6;
	(v2sf) =	vpush v8, $0xF;
	v6, _, _ =	vpop (xrf0)  }
0x67: {  	s30 =	simm.s32 $0x7A0;
	v7 =	vxor.u32 $0x80000000, v7;
	v9 =	vxor.u32 $0x80000000, v9;
	v11 =	vxor.u32 $0x80000000, v6;
	v6, _, _ =	vpop (xrf0)  }
0x68: {  	(xrf0) =	vmax.scan.msk.u32 $0xffff, v7;
	(v2sf) =	vpush v9, $0xF;
	v12 =	vxor.u32 $0x80000000, v6;
	v6 =	vld [tilespmem:s30+$0xFFFFFFE0]  }
0x69: {  	v5 =	vxor.u32 $0x80000000, v5  }
0x6a: {  	(v2sf) =	vpush v11, $0xF;
	(xrf0) =	vmax.scan.msk.u32 $0xffff, v5  }
0x6b: {  	v5 =	vxor.u32 $0x80000000, v10  }
0x6c: {  	v10, _, _ =	vpop (xrf0);
	(xrf0) =	vmax.scan.msk.u32 $0xffff, v5;
	(v2sf) =	vpush v12, $0xF  }
0x6d: {  	v7 =	vld [tilespmem:s30+$0xFFFFFFF0];
	v10 =	vxor.u32 $0x80000000, v10;
	v6 =	vxor.u32 $0x80000000, v6  }
0x6e: {  	v5 =	vld [tilespmem:s30+$0x0];
	v13, _, _ =	vpop (xrf0);
	(v2sf) =	vpush v10, $0xF  }
0x6f: {  	v13 =	vxor.u32 $0x80000000, v13  }
0x70: {  	(v2sf) =	vpush v13, $0xF;
	(xrf0) =	vmax.scan.msk.u32 $0xffff, v6;
	v6, _, _ =	vpop (xrf0)  }
0x71: {  	v17 =	vxor.u32 $0x80000000, v6  }
0x72: {  	s31 =	simm.s32 $0x7E0;
	v14 =	vld [tilespmem:s30+$0x10];
	v7 =	vxor.u32 $0x80000000, v7;
	v6, _, _ =	vpop (xrf0);
	(v2sf) =	vpush v17, $0xF  }
0x73: {  	s18 =	simm.s32 $0x0;
	v15 =	vld [tilespmem:s31+$0xFFFFFFE0];
	(xrf0) =	vmax.scan.msk.u32 $0xffff, v7;
	v7 =	vxor.u32 $0x80000000, v5;
	v5 =	vxor.u32 $0x80000000, v6  }
0x74: {  	vm0 =	vgt.s32 v8, s18;
	(v2sf) =	vpush v5, $0xF  }
0x75: {  	(xrf0) =	vmax.scan.msk.u32 $0xffff, v7;
	s19 =	spop (v2sf);
	v6 =	vnsel vm0, s18, v8;
	v8 =	vld [tilespmem:s31+$0xFFFFFFF0]  }
0x76: {  	p0 =	slt.s32 s19, $0x0  }
0x77: {  	v7 =	vxor.u32 $0x80000000, v14;
	s19 =	smov.u32 @p0 s18;
	s18 =	spop (v2sf)  }
0x78: {  	v18 =	vld [tilespmem:s31+$0x10];
	v15 =	vxor.u32 $0x80000000, v15;
	v16 =	vshll.u32 v6, $0x1;
	v14, _, _ =	vpop (xrf0);
	(xrf0) =	vmax.scan.msk.u32 $0xffff, v7;
	vm0 =	vgt.s32 v9, s19;
	p0 =	sgt.s32 s19, s18  }
0x79: {  	v6 =	vxor.u32 $0x80000000, v14;
	v14 =	vor.u32 v0, v16;
	v16 =	vld [tilespmem:s31+$0x0];
	v9 =	vnsel vm0, s19, v9;
	s18 =	smov.u32 @p0 s19;
	s19 =	spop (v2sf)  }
0x7a: {  	v7, _, _ =	vpop (xrf0);
	(xrf0) =	vmax.scan.msk.u32 $0xffff, v15;
	p0 =	sgt.s32 s18, s19;
	v19 =	vxor.u32 $0x80000000, v8  }
0x7b: {  	(v2sf) =	vpush v6, $0xF;
	vm0 =	vgt.s32 v11, s18;
	v7 =	vxor.u32 $0x80000000, v7;
	v15, _, _ =	vpop (xrf0);
	s19 =	smov.u32 @p0 s18;
	s20 =	spop (v2sf);
	(xrf0) =	vmax.scan.msk.u32 $0xffff, v19  }
0x7c: {  	v11 =	vnsel vm0, s18, v11;
	(v2sf) =	vpush v7, $0xF;
	v8 =	vxor.u32 $0x80000000, v15;
	p0 =	sgt.s32 s19, s20  }
0x7d: {  	vm0 =	vgt.s32 v12, s19;
	v15 =	vshll.u32 v11, $0x1;
	(v2sf) =	vpush v8, $0xF;
	s17 =	spop (v2sf);
	s20 =	smov.u32 @p0 s19  }
0x7e: {  	v11 =	vnsel vm0, s19, v12;
	v12, _, _ =	vpop (xrf0);
	v16 =	vxor.u32 $0x80000000, v16;
	v20 =	vld.idx.msk [tilespmem:v14+s13+$0x0], $0xffff;
	v14 =	vxor.u32 $0x80000000, v18;
	p0 =	sgt.s32 s20, s17  }
0x7f: {  	s18 =	simm.s32 $0x820;
	s19 =	spop (v2sf);
	vm0 =	vgt.s32 v10, s20;
	v19 =	vshll.u32 v11, $0x1;
	v11 =	vxor.u32 $0x80000000, v12;
	s17 =	smov.u32 @p0 s20  }
0x80: {  	v21 =	vld [tilespmem:s18+$0xFFFFFFE0];
	v12 =	vor.u32 v0, v15;
	v10 =	vnsel vm0, s20, v10;
	v15, _, _ =	vpop (xrf0);
	vm0 =	vgt.s32 v13, s17;
	p0 =	sgt.s32 s17, s19  }
0x81: {  	(xrf0) =	vmax.scan.msk.u32 $0xffff, v16;
	(v2sf) =	vpush v11, $0xF;
	v16 =	vxor.u32 $0x80000000, v15;
	v13 =	vnsel vm0, s17, v13;
	s19 =	smov.u32 @p0 s17;
	v15, _, _ =	vpop (xrf0);
	s20 =	spop (v2sf)  }
0x82: {  	(v2sf) =	vpush v16, $0xF;
	vm0 =	vgt.s32 v17, s19;
	v15 =	vxor.u32 $0x80000000, v15;
	p0 =	sgt.s32 s19, s20  }
0x83: {  	v22 =	vor.u32 v0, v19;
	v17 =	vnsel vm0, s19, v17;
	s20 =	smov.u32 @p0 s19;
	s19 =	spop (v2sf);
	(v2sf) =	vpush v15, $0xF  }
0x84: {  	v9 =	vshll.u32 v9, $0x1;
	v18 =	vld [tilespmem:s18+$0xFFFFFFF0];
	(xrf0) =	vmax.scan.msk.u32 $0xffff, v14  }
0x85: {  	v9 =	vor.u32 v0, v9;
	v10 =	vshll.u32 v10, $0x1;
	v21 =	vxor.u32 $0x80000000, v21  }
0x86: {  	v19 =	vld [tilespmem:s18+$0x0];
	v10 =	vor.u32 v0, v10;
	s17 =	simm.s32 $0x1720  }
0x87: {  	[tilespmem:s17+$0xFFFFFFE0] =	vst v20;
	v20 =	vld [tilespmem:s18+$0x10]  }
0x88: {  	s21 =	simm.s32 $0x14;
	v14 =	vshll.u32 v13, $0x1;
	(xrf0) =	vmax.scan.msk.u32 $0xffff, v21;
	v13 =	vld.idx.msk [tilespmem:v22+s13+$0x0], $0xffff;
	v21, _, _ =	vpop (xrf0);
	v17 =	vshll.u32 v17, $0x1;
	vm0 =	vgt.s32 v5, s20;
	p1 =	sgt.s32 s20, s19  }
.LBB2_6:
0x89: {  	s21 =	sadd.s32 $0x4, s21;
	v18 =	vxor.u32 $0x80000000, v18;
	v21 =	vxor.u32 $0x80000000, v21;
	v22 =	vnsel vm0, s20, v5;
	s19 =	smov.u32 @p1 s20;
	v23 =	vld.idx.msk [tilespmem:v12+s13+$0x0], $0xffff;
	v5 =	vmovc v11  }
0x8a: {  	p0 =	slt.u32 s21, $0xFC;
	(xrf0) =	vmax.scan.msk.u32 $0xffff, v18;
	(v2sf) =	vpush v21, $0xF;
	v11, _, _ =	vpop (xrf0);
	vm0 =	vgt.s32 v6, s19;
	v12 =	vshll.u32 v22, $0x1;
	v22 =	vld.idx.msk [tilespmem:v9+s13+$0x0], $0xffff  }
0x8b: {  	s18 =	sadd.s32 $0x40, s18;
	v9 =	vxor.u32 $0x80000000, v19;
	v11 =	vxor.u32 $0x80000000, v11;
	v18 =	vnsel vm0, s19, v6;
	s20 =	spop (v2sf);
	v24 =	vld.idx.msk [tilespmem:v10+s13+$0x0], $0xffff;
	v6 =	vmovc v16  }
0x8c: {  	v26 =	vor.u32 v0, v12;
	v25 =	vld [tilespmem:s18+$0xFFFFFFE0];
	(xrf0) =	vmax.scan.msk.u32 $0xffff, v9;
	(v2sf) =	vpush v11, $0xF;
	v10 =	vshll.u32 v18, $0x1;
	p1 =	sgt.s32 s19, s20  }
0x8d: {  	v12 =	vor.u32 v0, v17;
	v9 =	vor.u32 v0, v14;
	v16 =	vxor.u32 $0x80000000, v20;
	s20 =	smov.u32 @p1 s19;
	s19 =	spop (v2sf);
	[tilespmem:s17+$0x10] =	vst v13  }
.Ltmp2:
0x8e: {  	v10 =	vor.u32 v0, v10;
	v18 =	vld [tilespmem:s18+$0xFFFFFFF0];
	v13, _, _ =	vpop (xrf0);
	(xrf0) =	vmax.scan.msk.u32 $0xffff, v16;
	vm0 =	vgt.s32 v7, s20;
	p1 =	sgt.s32 s20, s19;
	(pc) =	sbr.rel @p0 .LBB2_6-.Ltmp2, $4  }
0x8f: {  	v16 =	vxor.u32 $0x80000000, v13;
	v13 =	vnsel vm0, s20, v7;
	s19 =	smov.u32 @p1 s20;
	s20 =	spop (v2sf);
	[tilespmem:s17+$0x0] =	vst v23;
	v7 =	vmov v15  }
0x90: {  	v19 =	vld [tilespmem:s18+$0x0];
	(v2sf) =	vpush v16, $0xF;
	v15, _, _ =	vpop (xrf0);
	v14 =	vshll.u32 v13, $0x1;
	vm0 =	vgt.s32 v8, s19;
	p1 =	sgt.s32 s19, s20;
	[tilespmem:s17+$0xFFFFFFF0] =	vst v22;
	s17 =	sadd.s32 $0x40, s17  }
0x91: {  	v17 =	vxor.u32 $0x80000000, v25;
	v15 =	vxor.u32 $0x80000000, v15;
	v22 =	vnsel vm0, s19, v8;
	s20 =	smov.u32 @p1 s19;
	s19 =	spop (v2sf);
	[tilespmem:s17+$0xFFFFFFE0] =	vst v24;
	v13 =	vld.idx.msk [tilespmem:v26+s13+$0x0], $0xffff;
	v8 =	vmovc v21  }
0x92: {  	v20 =	vld [tilespmem:s18+$0x10];
	(xrf0) =	vmax.scan.msk.u32 $0xffff, v17;
	(v2sf) =	vpush v15, $0xF;
	v21, _, _ =	vpop (xrf0);
	v17 =	vshll.u32 v22, $0x1;
	vm0 =	vgt.s32 v5, s20;
	p1 =	sgt.s32 s20, s19  }
0x93: {  	v18 =	vxor.u32 $0x80000000, v18;
	s18 =	sadd.s32 $0x40, s18  }
0x94: {  	(xrf0) =	vmax.scan.msk.u32 $0xffff, v18;
	v33 =	vld [tilespmem:s18+$0xFFFFFFE0]  }
0x95: {  	v21 =	vxor.u32 $0x80000000, v21;
	v19 =	vxor.u32 $0x80000000, v19  }
0x96: {  	(v2sf) =	vpush v21, $0xF;
	v22, _, _ =	vpop (xrf0);
	v34 =	vld [tilespmem:s18+$0xFFFFFFF0];
	(xrf0) =	vmax.scan.msk.u32 $0xffff, v19  }
0x97: {  	v22 =	vxor.u32 $0x80000000, v22;
	v20 =	vxor.u32 $0x80000000, v20  }
0x98: {  	v35 =	vld [tilespmem:s18+$0x0];
	(v2sf) =	vpush v22, $0xF;
	v23, _, _ =	vpop (xrf0);
	(xrf0) =	vmax.scan.msk.u32 $0xffff, v20  }
0x99: {  	s19 =	smov.u32 @p1 s20;
	s21 =	spop (v2sf);
	v23 =	vxor.u32 $0x80000000, v23;
	v18 =	vxor.u32 $0x80000000, v33  }
0x9a: {  	p0 =	sgt.s32 s19, s21;
	(v2sf) =	vpush v23, $0xF;
	v24, _, _ =	vpop (xrf0);
	(xrf0) =	vmax.scan.msk.u32 $0xffff, v18  }
0x9b: {  	s22 =	spop (v2sf);
	s21 =	smov.u32 @p0 s19;
	v36 =	vxor.u32 $0x80000000, v34;
	v24 =	vxor.u32 $0x80000000, v24  }
0x9c: {  	p0 =	sgt.s32 s21, s22;
	(v2sf) =	vpush v24, $0xF;
	v37, _, _ =	vpop (xrf0);
	(xrf0) =	vmax.scan.msk.u32 $0xffff, v36  }
0x9d: {  	s22 =	smov.u32 @p0 s21;
	s23 =	spop (v2sf);
	v38 =	vxor.u32 $0x80000000, v35;
	v19 =	vxor.u32 $0x80000000, v37  }
0x9e: {  	p0 =	sgt.s32 s22, s23;
	(v2sf) =	vpush v19, $0xF;
	v39, _, _ =	vpop (xrf0);
	(xrf0) =	vmax.scan.msk.u32 $0xffff, v38  }
0x9f: {  	s23 =	smov.u32 @p0 s22;
	s24 =	spop (v2sf);
	v20 =	vxor.u32 $0x80000000, v39  }
0xa0: {  	p0 =	sgt.s32 s23, s24;
	(v2sf) =	vpush v20, $0xF;
	v40, _, _ =	vpop (xrf0)  }
0xa1: {  	s24 =	smov.u32 @p0 s23;
	s25 =	spop (v2sf);
	v25 =	vxor.u32 $0x80000000, v40  }
0xa2: {  	v5 =	vnsel vm0, s20, v5;
	p0 =	sgt.s32 s24, s25;
	(v2sf) =	vpush v25, $0xF;
	v41, _, _ =	vpop (xrf0)  }
0xa3: {  	v14 =	vor.u32 v0, v14;
	v17 =	vor.u32 v0, v17;
	s25 =	smov.u32 @p0 s24;
	s26 =	spop (v2sf);
	v18 =	vxor.u32 $0x80000000, v41  }
0xa4: {  	vm13 =	vgt.s32 v6, s19;
	v27 =	vld [tilespmem:s18+$0x10];
	v5 =	vshll.u32 v5, $0x1;
	p0 =	sgt.s32 s25, s26;
	(v2sf) =	vpush v18, $0xF;
	v26, _, _ =	vpop (xrf0)  }
0xa5: {  	v6 =	vnsel vm13, s19, v6;
	v5 =	vor.u32 v0, v5;
	s26 =	smov.u32 @p0 s25;
	s19 =	spop (v2sf);
	v26 =	vxor.u32 $0x80000000, v26  }
0xa6: {  	vm14 =	vgt.s32 v7, s21;
	vm15 =	vgt.s32 v8, s22;
	p0 =	sgt.s32 s26, s19;
	(v2sf) =	vpush v26, $0xF  }
0xa7: {  	v6 =	vshll.u32 v6, $0x1;
	v7 =	vnsel vm14, s21, v7;
	v8 =	vnsel vm15, s22, v8;
	s18 =	spop (v2sf);
	s19 =	smov.u32 @p0 s26  }
0xa8: {  	v6 =	vor.u32 v0, v6;
	v7 =	vshll.u32 v7, $0x1;
	v8 =	vshll.u32 v8, $0x1;
	p0 =	sgt.s32 s19, s18  }
0xa9: {  	v27 =	vxor.u32 $0x80000000, v27;
	v7 =	vor.u32 v0, v7;
	v8 =	vor.u32 v0, v8;
	s18 =	smov.u32 @p0 s19;
	s20 =	spop (v2sf)  }
0xaa: {  	v12 =	vld.idx.msk [tilespmem:v12+s13+$0x0], $0xffff;
	vm4 =	vgt.s32 v11, s23;
	vm1 =	vgt.s32 v16, s24;
	vm7 =	vgt.s32 v22, s19;
	p0 =	sgt.s32 s18, s20  }
0xab: {  	v9 =	vld.idx.msk [tilespmem:v9+s13+$0x0], $0xffff;
	v11 =	vnsel vm4, s23, v11;
	v16 =	vnsel vm1, s24, v16;
	v22 =	vnsel vm7, s19, v22;
	s20 =	smov.u32 @p0 s18;
	s19 =	spop (v2sf)  }
0xac: {  	v10 =	vld.idx.msk [tilespmem:v10+s13+$0x0], $0xffff;
	v11 =	vshll.u32 v11, $0x1;
	v16 =	vshll.u32 v16, $0x1;
	vm8 =	vgt.s32 v23, s18;
	p0 =	sgt.s32 s20, s19  }
0xad: {  	v5 =	vld.idx.msk [tilespmem:v5+s13+$0x0], $0xffff;
	v11 =	vor.u32 v0, v11;
	v16 =	vor.u32 v0, v16;
	(xrf0) =	vmax.scan.msk.u32 $0xffff, v27;
	v23 =	vnsel vm8, s18, v23;
	s19 =	smov.u32 @p0 s20;
	s18 =	spop (v2sf)  }
0xae: {  	[tilespmem:s17+$0x10] =	vst v13;
	vm5 =	vgt.s32 v15, s25;
	vm6 =	vgt.s32 v21, s26;
	vm9 =	vgt.s32 v24, s20;
	p0 =	sgt.s32 s19, s18  }
0xaf: {  	v42 =	vld.idx.msk [tilespmem:v17+s13+$0x0], $0xffff;
	v15 =	vnsel vm5, s25, v15;
	v21 =	vnsel vm6, s26, v21;
	v24 =	vnsel vm9, s20, v24;
	s18 =	smov.u32 @p0 s19;
	s20 =	spop (v2sf)  }
0xb0: {  	[tilespmem:s17+$0x0] =	vst v12;
	v44 =	vld.idx.msk [tilespmem:v14+s13+$0x0], $0xffff;
	v45 =	vshll.u32 v15, $0x1;
	v49 =	vshll.u32 v21, $0x1;
	vm10 =	vgt.s32 v19, s19;
	p0 =	sgt.s32 s18, s20  }
0xb1: {  	s30 =	sadd.s32 $0x40, s17;
	[tilespmem:s17+$0xFFFFFFF0] =	vst v9;
	v6 =	vld.idx.msk [tilespmem:v6+s13+$0x0], $0xffff;
	v48 =	vshll.u32 v22, $0x1;
	v43 =	vnsel vm10, s19, v19;
	vm11 =	vgt.s32 v20, s18;
	s20 =	smov.u32 @p0 s18;
	s19 =	spop (v2sf)  }
0xb2: {  	[tilespmem:s30+$0x10] =	vst v5;
	v5 =	vld.idx.msk [tilespmem:v8+s13+$0x0], $0xffff;
	v51 =	vshll.u32 v23, $0x1;
	v46 =	vnsel vm11, s18, v20;
	v20 =	vor.u32 v0, v48;
	p0 =	sgt.s32 s20, s19  }
0xb3: {  	[tilespmem:s30+$0xFFFFFFE0] =	vst v10;
	v52 =	vor.u32 v0, v45;
	v9 =	vor.u32 v0, v49;
	v47, _, _ =	vpop (xrf0);
	v8 =	vor.u32 v0, v51;
	s19 =	smov.u32 @p0 s20;
	s18 =	spop (v2sf)  }
0xb4: {  	[tilespmem:s30+$0x0] =	vst v42;
	v7 =	vld.idx.msk [tilespmem:v7+s13+$0x0], $0xffff;
	v54 =	vshll.u32 v24, $0x1;
	v19 =	vxor.u32 $0x80000000, v47;
	vm12 =	vgt.s32 v25, s20;
	p0 =	sgt.s32 s19, s18  }
0xb5: {  	s17 =	sadd.s32 $0x40, s30;
	[tilespmem:s30+$0xFFFFFFF0] =	vst v44;
	v50 =	vld.idx.msk [tilespmem:v11+s13+$0x0], $0xffff;
	v13 =	vor.u32 v0, v54;
	v56 =	vshll.u32 v43, $0x1;
	v53 =	vnsel vm12, s20, v25;
	s18 =	smov.u32 @p0 s19;
	s20 =	spop (v2sf)  }
0xb6: {  	[tilespmem:s17+$0xFFFFFFE0] =	vst v6;
	v55 =	vld.idx.msk [tilespmem:v16+s13+$0x0], $0xffff;
	v16 =	vor.u32 v0, v56;
	v15 =	vshll.u32 v46, $0x1;
	(v2sf) =	vpush v19, $0xF;
	p0 =	sgt.s32 s18, s20  }
0xb7: {  	[tilespmem:s17+$0x0] =	vst v5;
	v15 =	vor.u32 v0, v15;
	v14 =	vshll.u32 v53, $0x1;
	v6 =	vld.idx.msk [tilespmem:v20+s13+$0x0], $0xffff;
	vm14 =	vgt.s32 v26, s18;
	s20 =	smov.u32 @p0 s18  }
0xb8: {  	v5 =	vld.idx.msk [tilespmem:v52+s13+$0x0], $0xffff;
	vm15 =	vgt.s32 v18, s19;
	v59 =	vnsel vm14, s18, v26;
	vm13 =	vgt.s32 v19, s20  }
0xb9: {  	[tilespmem:s17+$0xFFFFFFF0] =	vst v7;
	v9 =	vld.idx.msk [tilespmem:v9+s13+$0x0], $0xffff;
	v57 =	vor.u32 v0, v14;
	v11 =	vshll.u32 v59, $0x1;
	v58 =	vnsel vm13, s20, v19  }
0xba: {  	[tilespmem:s17+$0x10] =	vst v50;
	s17 =	sadd.s32 $0x40, s17;
	v7 =	vld.idx.msk [tilespmem:v8+s13+$0x0], $0xffff;
	v60 =	vnsel vm15, s19, v18;
	v11 =	vor.u32 v0, v11;
	v14 =	vshll.u32 v58, $0x1  }
0xbb: {  	[tilespmem:s17+$0xFFFFFFE0] =	vst v55;
	v62 =	vld.idx.msk [tilespmem:v13+s13+$0x0], $0xffff;
	v8 =	vshll.u32 v60, $0x1;
	v14 =	vor.u32 v0, v14  }
0xbc: {  	v8 =	vor.u32 v0, v8;
	[tilespmem:s17+$0x10] =	vst v6;
	v6 =	vld.idx.msk [tilespmem:v16+s13+$0x0], $0xffff  }
0xbd: {  	[tilespmem:s17+$0xFFFFFFF0] =	vst v5;
	v61 =	vld.idx.msk [tilespmem:v15+s13+$0x0], $0xffff  }
0xbe: {  	[tilespmem:s17+$0x0] =	vst v9;
	v5 =	vld.idx.msk [tilespmem:v57+s13+$0x0], $0xffff;
	s17 =	sadd.s32 $0x40, s17  }
0xbf: {  	[tilespmem:s17+$0xFFFFFFE0] =	vst v7;
	v63 =	vld.idx.msk [tilespmem:v11+s13+$0x0], $0xffff  }
0xc0: {  	[tilespmem:s17+$0xFFFFFFF0] =	vst v62;
	v7 =	vld.idx.msk [tilespmem:v14+s13+$0x0], $0xffff  }
0xc1: {  	[tilespmem:s17+$0x0] =	vst v6;
	v6 =	vld.idx.msk [tilespmem:v8+s13+$0x0], $0xffff  }
0xc2: {  	[tilespmem:s17+$0x10] =	vst v61;
	s17 =	sadd.s32 $0x40, s17  }
0xc3: {  	[tilespmem:s17+$0xFFFFFFE0] =	vst v5  }
0xc4: {  	s16 =	sadd.s32 $0x1, s16;
	[tilespmem:s17+$0x0] =	vst v63  }
0xc5: {  	p0 =	sne.s32 s16, s6;
	[tilespmem:s17+$0x10] =	vst v7  }
.Ltmp3:
0xc6: {  	s31 =	spop (v2sf);
	[tilespmem:s17+$0xFFFFFFF0] =	vst v6;
	(pc) =	sbr.rel @p0 .LBB2_1-.Ltmp3, $4  }
0xc7: {  	[hbm4b:s5+s7] =	stream.strided.scatter [tilespmem:s14], [sflag:$0x3], $0x1000, s8, s7, $0x38;
	[tilespmem:$0x2700] =	vst v63  }
0xc8: {  	_ =	swait.ge [sflag:s15], $0x1000  }
0xc9: {  	[sflag:s15] =	ssyncset.done $0x0  }
0xca: {  	[sflag:s15] =	ssyncadd.s32 $0xFFFFF000  }
0xcb: {  	_ =	sfence.sel $0x180000  }
0xcc: {  	[bflag:$0x0] =	sbarrier.arrive $0xFFFF  }
0xcd: {  	p0 =	sne.s32 s1, $0x0;
	_ =	strace $0x90000047  }
0xce: {  	s0 =	sadd.s32 @!p0 $0x100000, s0;
	[bflag:$0x2] =	sbarrier.arrive $0xFFFF  }
0xcf: {  	[sflag:s0] =	ssyncadd.tile.s32 @!p0 $0x1;
	_ =	shalt  }
.Lfunc_end2:
_tile_overlayer_lowered:
.L_overlay_start_2:
0xd0: {  	(tag) =	ssettag $0x2  }
0xd1: {  	s0 =	rddreg [dreg:$0x0];
	s2 =	stileid.u32  }
0xd2: {  	s1 =	rddreg [dreg:$0x1];
	p0 =	sne.s32 s2, $0x0  }
0xd3: {  	s3 =	rddreg [dreg:$0x2];
	[bflag:$0x3] =	sbarrier.arrive $0xFFFF;
	s2 =	simm.s32 @!p0 $0x1C03  }
0xd4: {  	[timem:s3], [sflag:s2] =	dma.local @!p0 [hbm:s0], s1  }
0xd5: {  	s0 =	simm.s32 @!p0 $0x3  }
0xd6: {  	_ =	swait.ge @!p0 [sflag:s0], s1  }
0xd7: {  	s1 =	ssub.s32 @!p0 $0x0, s1;
	[sflag:s0] =	ssyncset.done @!p0 $0x0  }
0xd8: {  	[sflag:s0] =	ssyncadd.s32 @!p0 s1  }
0xd9: {  	[bflag:$0x3] =	sbarrier.arrive $0xFFFF  }
0xda: {  	_ =	shalt  }

</sc_bundles>
